<compile_context>
chip_gen: v7x
topology: tpu7x:2x2x1
jax: 0.10.2.dev20260603
libtpu: 0.0.44.dev20260713+nightly
codegen_flags: <defaults>
</compile_context>

<pallas_src>
import functools

import jax
import jax.numpy as jnp
from jax import lax
from jax.experimental import pallas as pl
from jax.experimental.pallas import tpu as pltpu
from jax.experimental.pallas import tpu_sc as plsc

_NC = 2
_NS = 16
_LW = 128
_CW = 32
_NR = 8


def _segsum_body(m, n, npad, d, nhalf, xst, zs,
                 x_hbm, sd0_hbm, sd1_hbm, zrow_hbm,
                 part_hbm,
                 sd_t0, sd_t1, rows_a, rows_b,
                 sem_a, sem_b, sem_sa, sem_sb, sem_r0, sem_r1,
                 acc_sh, xsp_sh):
  c = lax.axis_index("c")
  s = lax.axis_index("s")
  wid = c * _NS + s

  zlast = npad - (_NS - 1) * zs
  last = nhalf - (_NS - 1) * xst

  @pl.when(s < _NS - 1)
  def _():
    pltpu.sync_copy(zrow_hbm.at[pl.ds(0, zs)],
                    acc_sh.at[pl.ds(s * zs, zs)])

  @pl.when(s == _NS - 1)
  def _():
    pltpu.sync_copy(zrow_hbm.at[pl.ds(0, zlast)],
                    acc_sh.at[pl.ds((_NS - 1) * zs, zlast)])

  def gath(sd, k, rows, sem):
    pltpu.async_copy(xsp_sh.at[sd.at[k, pl.ds(_CW, _CW)]], rows, sem)

  def wg(sd, k, rows, sem):
    pltpu.make_async_copy(zrow_hbm.at[pl.ds(0, _CW)], rows, sem).wait()

  def scat(sd, k, rows, sem):
    pltpu.async_copy(rows, acc_sh.at[sd.at[k, pl.ds(0, _CW)]], sem, add=True)

  def ws(sd, k, rows, sem):
    pltpu.make_async_copy(rows, acc_sh.at[sd.at[k, pl.ds(0, _CW)]],
                          sem).wait()

  def process(sd, sd_nxt, wait_nxt, nxt_pred):
    def pair(t, carry):
      ka = 2 * t
      kb = 2 * t + 1
      tail = ka + 2 >= _NR
      wg(sd, ka, rows_a, sem_a)
      pltpu.sync_copy(rows_a, acc_sh.at[sd.at[ka, pl.ds(0, _CW)]], add=True)

      @pl.when(jnp.logical_not(tail))
      def _():
        gath(sd, ka + 2, rows_a, sem_a)

      @pl.when(tail & nxt_pred)
      def _():
        wait_nxt()
        gath(sd_nxt, 0, rows_a, sem_a)

      wg(sd, kb, rows_b, sem_b)
      pltpu.sync_copy(rows_b, acc_sh.at[sd.at[kb, pl.ds(0, _CW)]], add=True)

      @pl.when(jnp.logical_not(tail))
      def _():
        gath(sd, kb + 2, rows_b, sem_b)

      @pl.when(tail & nxt_pred)
      def _():
        gath(sd_nxt, 1, rows_b, sem_b)

      return carry

    lax.fori_loop(0, _NR // 2, pair, 0)

  for h, sd_hbm in ((0, sd0_hbm), (1, sd1_hbm)):
    @pl.when(s < _NS - 1)
    def _():
      pltpu.sync_copy(x_hbm.at[pl.ds(h * nhalf + s * xst, xst)],
                      xsp_sh.at[pl.ds(s * xst, xst)])

    @pl.when(s == _NS - 1)
    def _():
      pltpu.sync_copy(x_hbm.at[pl.ds(h * nhalf + (_NS - 1) * xst, last)],
                      xsp_sh.at[pl.ds((_NS - 1) * xst, last)])

    plsc.subcore_barrier()

    nring = m // _NR

    def stage(sd, r, sem):
      pltpu.async_copy(sd_hbm.at[pl.ds(wid * m + r * _NR, _NR)], sd, sem)

    def wstage(sd, sem):
      pltpu.make_async_copy(sd_hbm.at[pl.ds(0, _NR)], sd, sem).wait()

    def ringpair(rr, carry):
      r0 = 2 * rr
      process(sd_t0, sd_t1, lambda: wstage(sd_t1, sem_r1), rr >= 0)

      @pl.when(r0 + 2 < nring)
      def _():
        stage(sd_t0, r0 + 2, sem_r0)

      process(sd_t1, sd_t0, lambda: wstage(sd_t0, sem_r0), r0 + 2 < nring)

      @pl.when(r0 + 3 < nring)
      def _():
        stage(sd_t1, r0 + 3, sem_r1)

      return carry

    stage(sd_t0, 0, sem_r0)
    wstage(sd_t0, sem_r0)
    stage(sd_t1, 1, sem_r1)
    gath(sd_t0, 0, rows_a, sem_a)
    gath(sd_t0, 1, rows_b, sem_b)
    lax.fori_loop(0, nring // 2, ringpair, 0)
    plsc.subcore_barrier()

  @pl.when(s < _NS - 1)
  def _():
    pltpu.sync_copy(acc_sh.at[pl.ds(s * zs, zs)],
                    part_hbm.at[c, pl.ds(s * zs, zs)])

  @pl.when(s == _NS - 1)
  def _():
    pltpu.sync_copy(acc_sh.at[pl.ds((_NS - 1) * zs, zlast)],
                    part_hbm.at[c, pl.ds((_NS - 1) * zs, zlast)])


@functools.partial(jax.jit, static_argnums=(3, 4))
def _sc_segsum(x, sd0, sd1, n, d):
  nt = _NC * _NS
  m = sd0.shape[0] // nt
  npad = n + 8
  nhalf = n // 2
  xst = (-(-nhalf // _NS) + 7) // 8 * 8
  zs = (-(-npad // _NS) + 7) // 8 * 8
  assert n % 16 == 0 and (_NS - 1) * xst < nhalf and (_NS - 1) * zs < npad
  assert (nhalf - (_NS - 1) * xst) % 8 == 0 and (npad - (_NS - 1) * zs) % 8 == 0

  zrow = jnp.zeros((zs, d), jnp.float32)

  mesh = plsc.VectorSubcoreMesh(core_axis_name="c", subcore_axis_name="s")
  fn = pl.kernel(
      functools.partial(_segsum_body, m, n, npad, d, nhalf, xst, zs),
      out_type=jax.ShapeDtypeStruct((_NC, npad, d), jnp.float32),
      mesh=mesh,
      scratch_types=[
          pltpu.VMEM((_NR, 2 * _CW), jnp.int32),
          pltpu.VMEM((_NR, 2 * _CW), jnp.int32),
          pltpu.VMEM((_CW, d), jnp.float32),
          pltpu.VMEM((_CW, d), jnp.float32),
          pltpu.SemaphoreType.DMA,
          pltpu.SemaphoreType.DMA,
          pltpu.SemaphoreType.DMA,
          pltpu.SemaphoreType.DMA,
          pltpu.SemaphoreType.DMA,
          pltpu.SemaphoreType.DMA,
          pltpu.VMEM_SHARED((npad, d), jnp.float32),
          pltpu.VMEM_SHARED((nhalf, d), jnp.float32),
      ],
  )
  return fn(x, sd0, sd1, zrow)


def _count_body(nch, npad, d,
                dstp_hbm, zcnt_hbm, ones_hbm,
                cntp_hbm,
                dst_t, ones_v, cnt_sh):
  c = lax.axis_index("c")
  s = lax.axis_index("s")
  wid = c * _NS + s
  zrows = npad // _NS

  pltpu.sync_copy(dstp_hbm.at[pl.ds(wid * nch, nch)], dst_t)
  pltpu.sync_copy(ones_hbm, ones_v)
  pltpu.sync_copy(zcnt_hbm, cnt_sh.at[pl.ds(s * zrows, zrows)])
  plsc.subcore_barrier()

  def chunk(j, carry):
    pltpu.sync_copy(ones_v, cnt_sh.at[dst_t.at[j]], add=True)
    return carry

  lax.fori_loop(0, nch, chunk, 0)
  plsc.subcore_barrier()
  pltpu.sync_copy(cnt_sh.at[pl.ds(s * zrows, zrows)],
                  cntp_hbm.at[c, pl.ds(s * zrows, zrows)])


@functools.partial(jax.jit, static_argnums=(1, 2))
def _sc_counts(dstp, n, d):
  nt = _NC * _NS
  nch = dstp.shape[0] // nt
  npad = (n + 128) // 128 * 128
  zcnt = jnp.zeros((npad // _NS, d), jnp.float32)
  ones = jnp.ones((_LW, d), jnp.float32)
  mesh = plsc.VectorSubcoreMesh(core_axis_name="c", subcore_axis_name="s")
  fn = pl.kernel(
      functools.partial(_count_body, nch, npad, d),
      out_type=jax.ShapeDtypeStruct((_NC, npad, d), jnp.float32),
      mesh=mesh,
      scratch_types=[
          pltpu.VMEM((nch, _LW), jnp.int32),
          pltpu.VMEM((_LW, d), jnp.float32),
          pltpu.VMEM_SHARED((npad, d), jnp.float32),
      ],
  )
  return fn(dstp, zcnt, ones)


def _phase_body(final, p_ref, cnt_ref, x_ref, wl_ref, wr_ref, b_ref, o_ref):
  s = p_ref[0] + p_ref[1]
  cnt = cnt_ref[0][:, :1] + cnt_ref[1][:, :1]
  mean = s / jnp.maximum(cnt, 1.0)
  h = (jnp.dot(mean, wl_ref[...], preferred_element_type=jnp.float32)
       + jnp.dot(x_ref[...], wr_ref[...], preferred_element_type=jnp.float32)
       + b_ref[...])
  if final:
    nrm = jnp.sqrt(jnp.sum(h * h, axis=1, keepdims=True))
    o_ref[...] = h / jnp.maximum(nrm, 1e-12)
  else:
    o_ref[...] = jnp.where(h >= 0, h, 0.01 * h)


@functools.partial(jax.jit, static_argnums=(6,))
def _tc_phase(part, cntp, x, wlt, wrt, b, final):
  n, d = x.shape
  r = 1000
  grid = (n // r,)
  return pl.pallas_call(
      functools.partial(_phase_body, final),
      grid=grid,
      in_specs=[
          pl.BlockSpec((_NC, r, d), lambda i: (0, i, 0)),
          pl.BlockSpec((_NC, r, d), lambda i: (0, i, 0)),
          pl.BlockSpec((r, d), lambda i: (i, 0)),
          pl.BlockSpec((d, d), lambda i: (0, 0)),
          pl.BlockSpec((d, d), lambda i: (0, 0)),
          pl.BlockSpec((1, d), lambda i: (0, 0)),
      ],
      out_specs=pl.BlockSpec((r, d), lambda i: (i, 0)),
      out_shape=jax.ShapeDtypeStruct((n, d), jnp.float32),
  )(part, cntp, x, wlt, wrt, b)


def kernel(x, edge_indices, Wl1, Wr1, b1, Wl2, Wr2, b2):
  n, d = x.shape
  e = edge_indices.shape[1]
  nt = _NC * _NS
  nhalf = n // 2

  nch = -(-e // (_LW * nt))
  nch = (nch + 7) // 8 * 8
  epad = nch * _LW * nt
  dst128 = jnp.concatenate(
      [edge_indices[1], jnp.full((epad - e,), n, jnp.int32)]).reshape(-1, _LW)

  m = -(-e // (_CW * nt))
  m = (m + _NR - 1) // _NR * _NR
  ep2 = m * _CW * nt
  srcf = jnp.concatenate([edge_indices[0], jnp.full((ep2 - e,), n, jnp.int32)])
  dstf = jnp.concatenate([edge_indices[1], jnp.zeros((ep2 - e,), jnp.int32)])
  sd = []
  for h in (0, 1):
    lo = h * nhalf
    inh = (srcf >= lo) & (srcf < lo + nhalf)
    sp = jnp.where(inh, srcf - lo, 0).reshape(-1, 1, _CW)
    dp = jnp.where(inh, dstf, n).reshape(-1, 1, _CW)
    sd.append(jnp.concatenate([dp, sp], axis=1).reshape(-1, 2 * _CW))

  cp = _sc_counts(dst128, n, d)
  p1 = _sc_segsum(x, sd[0], sd[1], n, d)
  h = _tc_phase(p1, cp, x, Wl1.T, Wr1.T, b1.reshape(1, d), False)
  p2 = _sc_segsum(h, sd[0], sd[1], n, d)
  return _tc_phase(p2, cp, h, Wl2.T, Wr2.T, b2.reshape(1, d), True)

# --- scband reference (transcript-rebuilt; emitter-appended) ---
"""Pipeline reference for scband-graph-conv-13408887898391 (READ-ONLY COPY).

The authoritative reference and input builder live on the scoring server;
editing this copy changes nothing except your own understanding.
"""

import jax, jax.numpy as jnp
import numpy as np

N = 10000
E = 320000
D = 128


def setup_inputs(seed: int = 0) -> dict:
    key = jax.random.key(seed)
    ks = jax.random.split(key, 9)
    x = jax.random.normal(ks[0], (N, D), dtype=jnp.float32)
    edge_indices = jax.random.randint(ks[1], (2, E), 0, N, dtype=jnp.int32)
    s = 1.0 / np.sqrt(D)
    Wl1 = jax.random.normal(ks[2], (D, D), dtype=jnp.float32) * s
    Wr1 = jax.random.normal(ks[3], (D, D), dtype=jnp.float32) * s
    b1 = jax.random.normal(ks[4], (D,), dtype=jnp.float32) * s
    Wl2 = jax.random.normal(ks[5], (D, D), dtype=jnp.float32) * s
    Wr2 = jax.random.normal(ks[6], (D, D), dtype=jnp.float32) * s
    b2 = jax.random.normal(ks[7], (D,), dtype=jnp.float32) * s
    return {"x": x, "edge_indices": edge_indices, "Wl1": Wl1, "Wr1": Wr1, "b1": b1, "Wl2": Wl2, "Wr2": Wr2, "b2": b2}


def _sage_conv(x, edge_indices, Wl, Wr, b):
    # PyG SAGEConv (mean aggregation): out = lin_l(mean_{j in N(i)} x_j) + lin_r(x_i)
    src = edge_indices[0]
    dst = edge_indices[1]
    msg = jnp.take(x, src, axis=0)
    summed = jax.ops.segment_sum(msg, dst, num_segments=N)
    cnt = jax.ops.segment_sum(jnp.ones((E,), dtype=x.dtype), dst, num_segments=N)
    mean = summed / jnp.maximum(cnt, 1.0)[:, None]
    return mean @ Wl.T + b + x @ Wr.T


def reference(x, edge_indices, Wl1, Wr1, b1, Wl2, Wr2, b2):
    h = _sage_conv(x, edge_indices, Wl1, Wr1, b1)
    h = jnp.where(h >= 0, h, 0.01 * h)  # leaky_relu, default slope 0.01
    # F.dropout treated as identity for deterministic reference
    h = _sage_conv(h, edge_indices, Wl2, Wr2, b2)
    # F.normalize: L2 normalize along dim=1
    norm = jnp.sqrt(jnp.sum(h * h, axis=1, keepdims=True))
    return h / jnp.maximum(norm, 1e-12)

if __name__ == "__main__":
    import jax
    _d = setup_inputs()
    print(jax.jit(kernel)(*tuple(_d.values())))

</pallas_src>

<mosaic_0001>
#map = affine_map<(d0, d1) -> (0, 0)>
#map1 = affine_map<(d0, d1) -> (0, 0, 0)>
module attributes {stable_mosaic.version = 14 : i64} {
  func.func @_count_body(%arg0: i32, %arg1: i32, %arg2: memref<2560x128xi32, #tpu.memory_space<hbm>>, %arg3: memref<632x128xf32, #tpu.memory_space<hbm>>, %arg4: memref<128x128xf32, #tpu.memory_space<hbm>>, %arg5: memref<2x10112x128xf32, #tpu.memory_space<hbm>>, %arg6: memref<80x128xi32, #tpu.memory_space<vmem>>, %arg7: memref<128x128xf32, #tpu.memory_space<vmem>>, %arg8: memref<10112x128xf32, #tpu.memory_space<vmem_shared>>) attributes {dimension_semantics = [#tpu.dimension_semantics<core_parallel>, #tpu.dimension_semantics<subcore_parallel>], iteration_bounds = array<i64: 2, 16>, scalar_prefetch = 0 : i64, scratch_operands = 3 : i64, tpu.core_type = #tpu.core_type<sc_vector_subcore>, window_params = [{transform_indices = #map}, {transform_indices = #map}, {transform_indices = #map}, {transform_indices = #map1}]} {
    %mul3A = arith.constant 16 : i32
    %mul3A_0 = arith.muli %arg0, %mul3A : i32
    %add3A = arith.addi %mul3A_0, %arg1 : i32
    %mul3A_1 = arith.constant 80 : i32
    %mul3A_2 = arith.muli %add3A, %mul3A_1 : i32
    "tpu.region"() ({
      %run_scoped3A = tpu.sem_alloc : memref<!tpu.dma_semaphore, #tpu.memory_space<semaphore_mem>>
      %dma_start3A = arith.constant 0 : i32
      %dma_start3A_15 = tpu.memref_slice %arg2[%mul3A_2, %dma_start3A] : memref<2560x128xi32, #tpu.memory_space<hbm>> -> memref<80x128xi32, #tpu.memory_space<hbm>>
      %dma_start3A_16 = arith.constant 0 : i32
      %dma_start3A_17 = tpu.memref_slice %arg2[%mul3A_2, %dma_start3A_16] : memref<2560x128xi32, #tpu.memory_space<hbm>> -> memref<80x128xi32, #tpu.memory_space<hbm>>
      tpu.enqueue_dma source(%dma_start3A_17 : memref<80x128xi32, #tpu.memory_space<hbm>>) target(%arg6 : memref<80x128xi32, #tpu.memory_space<vmem>>) target_semaphore(%run_scoped3A : memref<!tpu.dma_semaphore, #tpu.memory_space<semaphore_mem>>)
      %dma_wait3A = arith.constant 0 : i32
      %dma_wait3A_18 = tpu.memref_slice %arg2[%mul3A_2, %dma_wait3A] : memref<2560x128xi32, #tpu.memory_space<hbm>> -> memref<80x128xi32, #tpu.memory_space<hbm>>
      %dma_wait3A_19 = arith.constant 0 : i32
      %dma_wait3A_20 = tpu.memref_slice %arg2[%mul3A_2, %dma_wait3A_19] : memref<2560x128xi32, #tpu.memory_space<hbm>> -> memref<80x128xi32, #tpu.memory_space<hbm>>
      tpu.wait_dma2 semaphore(%run_scoped3A : memref<!tpu.dma_semaphore, #tpu.memory_space<semaphore_mem>>) src(%dma_wait3A_20 : memref<80x128xi32, #tpu.memory_space<hbm>>) dst(%arg6 : memref<80x128xi32, #tpu.memory_space<vmem>>)
      tpu.yield
    }) : () -> ()
    "tpu.region"() ({
      %run_scoped3A = tpu.sem_alloc : memref<!tpu.dma_semaphore, #tpu.memory_space<semaphore_mem>>
      tpu.enqueue_dma source(%arg4 : memref<128x128xf32, #tpu.memory_space<hbm>>) target(%arg7 : memref<128x128xf32, #tpu.memory_space<vmem>>) target_semaphore(%run_scoped3A : memref<!tpu.dma_semaphore, #tpu.memory_space<semaphore_mem>>)
      tpu.wait_dma2 semaphore(%run_scoped3A : memref<!tpu.dma_semaphore, #tpu.memory_space<semaphore_mem>>) src(%arg4 : memref<128x128xf32, #tpu.memory_space<hbm>>) dst(%arg7 : memref<128x128xf32, #tpu.memory_space<vmem>>)
      tpu.yield
    }) : () -> ()
    %mul3A_3 = arith.constant 632 : i32
    %mul3A_4 = arith.muli %arg1, %mul3A_3 : i32
    "tpu.region"() ({
      %run_scoped3A = tpu.sem_alloc : memref<!tpu.dma_semaphore, #tpu.memory_space<semaphore_mem>>
      %dma_start3A = arith.constant 0 : i32
      %dma_start3A_15 = tpu.memref_slice %arg8[%mul3A_4, %dma_start3A] : memref<10112x128xf32, #tpu.memory_space<vmem_shared>> -> memref<632x128xf32, #tpu.memory_space<vmem_shared>>
      tpu.enqueue_dma source(%arg3 : memref<632x128xf32, #tpu.memory_space<hbm>>) target(%dma_start3A_15 : memref<632x128xf32, #tpu.memory_space<vmem_shared>>) target_semaphore(%run_scoped3A : memref<!tpu.dma_semaphore, #tpu.memory_space<semaphore_mem>>)
      %dma_wait3A = arith.constant 0 : i32
      %dma_wait3A_16 = tpu.memref_slice %arg8[%mul3A_4, %dma_wait3A] : memref<10112x128xf32, #tpu.memory_space<vmem_shared>> -> memref<632x128xf32, #tpu.memory_space<vmem_shared>>
      tpu.wait_dma2 semaphore(%run_scoped3A : memref<!tpu.dma_semaphore, #tpu.memory_space<semaphore_mem>>) src(%arg3 : memref<632x128xf32, #tpu.memory_space<hbm>>) dst(%dma_wait3A_16 : memref<632x128xf32, #tpu.memory_space<vmem_shared>>)
      tpu.yield
    }) : () -> ()
    %barrier3A = arith.constant 0 : index
    tpu.barrier barrier_id(%barrier3A)
    %scan3A = arith.constant 0 : i32
    %scan3A_5 = arith.constant 0 : i32
    %scan3A_6 = arith.constant 80 : i32
    %scan3A_7 = arith.addi %scan3A_5, %scan3A_6 : i32
    %scan3A_8 = arith.constant 1 : i32
    scf.for %scan3A_15 = %scan3A_5 to %scan3A_7 step %scan3A_8  : i32 {
      "tpu.region"() ({
        %run_scoped3A = tpu.sem_alloc : memref<!tpu.dma_semaphore, #tpu.memory_space<semaphore_mem>>
        %dma_start3A = arith.constant 0 : i32
        %dma_start3A_16 = tpu.memref_slice %arg6[%scan3A_15, %dma_start3A] : memref<80x128xi32, #tpu.memory_space<vmem>> -> memref<1x128xi32, #tpu.memory_space<vmem>>
        %dma_start3A_17 = tpu.memref_squeeze %dma_start3A_16 : memref<1x128xi32, #tpu.memory_space<vmem>> -> memref<128xi32, #tpu.memory_space<vmem>>
        %dma_start3A_18 = arith.constant 0 : i32
        %dma_start3A_19 = arith.constant 0 : i32
        %dma_start3A_20 = tpu.memref_slice %arg8[%dma_start3A_18, %dma_start3A_19] : memref<10112x128xf32, #tpu.memory_space<vmem_shared>> -> memref<10112x128xf32, #tpu.memory_space<vmem_shared>>
        tpu.enqueue_indirect_dma source(%arg7 : memref<128x128xf32, #tpu.memory_space<vmem>>) target(%dma_start3A_20 : memref<10112x128xf32, #tpu.memory_space<vmem_shared>>) offsets(%dma_start3A_17 : memref<128xi32, #tpu.memory_space<vmem>>) semaphore(%run_scoped3A : memref<!tpu.dma_semaphore, #tpu.memory_space<semaphore_mem>>) {add = true}
        %dma_wait3A = arith.constant 0 : i32
        %dma_wait3A_21 = tpu.memref_slice %arg6[%scan3A_15, %dma_wait3A] : memref<80x128xi32, #tpu.memory_space<vmem>> -> memref<1x128xi32, #tpu.memory_space<vmem>>
        %dma_wait3A_22 = tpu.memref_squeeze %dma_wait3A_21 : memref<1x128xi32, #tpu.memory_space<vmem>> -> memref<128xi32, #tpu.memory_space<vmem>>
        %dma_wait3A_23 = arith.constant 0 : i32
        %dma_wait3A_24 = arith.constant 0 : i32
        %dma_wait3A_25 = tpu.memref_slice %arg8[%dma_wait3A_23, %dma_wait3A_24] : memref<10112x128xf32, #tpu.memory_space<vmem_shared>> -> memref<10112x128xf32, #tpu.memory_space<vmem_shared>>
        tpu.wait_indirect_dma semaphore(%run_scoped3A : memref<!tpu.dma_semaphore, #tpu.memory_space<semaphore_mem>>) src(%arg7 : memref<128x128xf32, #tpu.memory_space<vmem>>) dst(%dma_wait3A_25 : memref<10112x128xf32, #tpu.memory_space<vmem_shared>>)
        tpu.yield
      }) : () -> ()
    }
    %scan3A_9 = arith.constant 80 : i32
    %barrier3A_10 = arith.constant 0 : index
    tpu.barrier barrier_id(%barrier3A_10)
    %mul3A_11 = arith.constant 632 : i32
    %mul3A_12 = arith.muli %arg1, %mul3A_11 : i32
    %mul3A_13 = arith.constant 632 : i32
    %mul3A_14 = arith.muli %arg1, %mul3A_13 : i32
    "tpu.region"() ({
      %run_scoped3A = tpu.sem_alloc : memref<!tpu.dma_semaphore, #tpu.memory_space<semaphore_mem>>
      %dma_start3A = arith.constant 0 : i32
      %dma_start3A_15 = tpu.memref_slice %arg5[%arg0, %mul3A_14, %dma_start3A] : memref<2x10112x128xf32, #tpu.memory_space<hbm>> -> memref<1x632x128xf32, #tpu.memory_space<hbm>>
      %dma_start3A_16 = tpu.memref_squeeze %dma_start3A_15 : memref<1x632x128xf32, #tpu.memory_space<hbm>> -> memref<632x128xf32, #tpu.memory_space<hbm>>
      %dma_start3A_17 = arith.constant 0 : i32
      %dma_start3A_18 = tpu.memref_slice %arg8[%mul3A_12, %dma_start3A_17] : memref<10112x128xf32, #tpu.memory_space<vmem_shared>> -> memref<632x128xf32, #tpu.memory_space<vmem_shared>>
      tpu.enqueue_dma source(%dma_start3A_18 : memref<632x128xf32, #tpu.memory_space<vmem_shared>>) target(%dma_start3A_16 : memref<632x128xf32, #tpu.memory_space<hbm>>) target_semaphore(%run_scoped3A : memref<!tpu.dma_semaphore, #tpu.memory_space<semaphore_mem>>)
      %dma_wait3A = arith.constant 0 : i32
      %dma_wait3A_19 = tpu.memref_slice %arg5[%arg0, %mul3A_14, %dma_wait3A] : memref<2x10112x128xf32, #tpu.memory_space<hbm>> -> memref<1x632x128xf32, #tpu.memory_space<hbm>>
      %dma_wait3A_20 = tpu.memref_squeeze %dma_wait3A_19 : memref<1x632x128xf32, #tpu.memory_space<hbm>> -> memref<632x128xf32, #tpu.memory_space<hbm>>
      %dma_wait3A_21 = arith.constant 0 : i32
      %dma_wait3A_22 = tpu.memref_slice %arg8[%mul3A_12, %dma_wait3A_21] : memref<10112x128xf32, #tpu.memory_space<vmem_shared>> -> memref<632x128xf32, #tpu.memory_space<vmem_shared>>
      tpu.wait_dma2 semaphore(%run_scoped3A : memref<!tpu.dma_semaphore, #tpu.memory_space<semaphore_mem>>) src(%dma_wait3A_22 : memref<632x128xf32, #tpu.memory_space<vmem_shared>>) dst(%dma_wait3A_20 : memref<632x128xf32, #tpu.memory_space<hbm>>)
      tpu.yield
    }) : () -> ()
    return
  }
}

</mosaic_0001>

<sc_bundles>
// kernel: _sc_counts.3.cloned.1.call-start
scs
__scs_entry_jumppad:
0x0: {  	(pc) =	sbr.rel $0x88, $3  }
0x1: {  	(tag) =	ssettag $0x0;
	lr =	simm.s32 $0x1  }
0x2: {  	[smem:$0x3FA0] =	sst lr;
	_ =	strace $0xD0000000  }
0x3: {  	_ = 	snop  }
0x4: {  	_ = 	snop  }
0x5: {  	_ = 	snop  }
0x6: {  	_ = 	snop  }
0x7: {  	_ = 	snop  }
__scs_overlays_trampoline_lowered:
0x8: {  	[smem:$0x3FAF] =	sst s0  }
0x9: {  	[smem:$0x3FB0] =	sst s1  }
0xa: {  	[smem:$0x3FB1] =	sst s2  }
0xb: {  	[smem:$0x3FB2] =	sst s3  }
0xc: {  	[smem:$0x3FB3] =	sst s4  }
0xd: {  	[smem:$0x3FB4] =	sst s5  }
0xe: {  	[smem:$0x3FB5] =	sst s6  }
0xf: {  	[smem:$0x3FB6] =	sst s7  }
0x10: {  	[smem:$0x3FB7] =	sst s8  }
0x11: {  	[smem:$0x3FB8] =	sst s9;
	s0 =	simm.s32 @!p0 $0x0  }
0x12: {  	s1 =	sld [smem:$0x3F9E];
	s0 =	simm.s32 @p0 $0x1  }
0x13: {  	[smem:$0x3FB9] =	sst s0;
	s0 =	simm.s32 @!p1 $0x0  }
0x14: {  	s2 =	sld [smem:$0x3F9D];
	s0 =	simm.s32 @p1 $0x1  }
0x15: {  	[smem:$0x3FBA] =	sst s0;
	s0 =	simm.s32 @!p2 $0x0  }
0x16: {  	s3 =	sld [smem:$0x3FDB];
	s0 =	simm.s32 @p2 $0x1  }
0x17: {  	s4 =	simm.s32 $0x1BF5;
	[smem:$0x3FBC] =	sst s0  }
0x18: {  	s0 =	sld [smem:$0x3F9F];
	_ =	swait.ge [sflag:s4], $0x0  }
0x19: {  	s7 =	sld [smem:$0x3FA0]  }
0x1a: {  	s8 =	sadd.s32 $0xFFFFE003, lr  }
0x1b: {  	s9 =	sadd.s32 $0xFFFFFEF7, lr;
	s5 =	simm.s32 $0xFFFFFFFF;
	p2 =	slt.u32 s8, $0xFFFFF086  }
0x1c: {  	p1 =	slt.u32 s9, $0xF7A;
	s5 =	simm.s32 @!p2 $0x0  }
0x1d: {  	s5 =	simm.s32 @p1 $0x1;
	p0 =	seq.s32 s7, s2  }
0x1e: {  	s7 =	smul.u32 @!p0 $0xF7A, s2;
	p2 =	seq.s32 @!p0 s5, $0x0  }
0x1f: {  	s9 =	smul.u32 $0xF7A, s1;
	s8 =	simm.s32 @!p0 $0x1BF5;
	p2 =	por !p2, p0  }
0x20: {  	[sflag:s8] =	ssyncset.s32 @!p0 $0xFFFFF086;
	s6 =	sadd.s32 @!p0 s3, s7;
	s7 =	simm.s32 @!p0 $0x108  }
0x21: {  	s3 =	sadd.s32 s3, s9;
	s6 =	sadd.s32 @!p0 $0x88, s6;
	s7 =	simm.s32 @p2 $0x1082  }
0x22: {  	[simem:s7], [sflag:s8] =	dma.local @!p0 [hbm:s6], $0xF7A  }
0x23: {  	s9 =	sor.u32 $0xD0000000, s2;
	s6 =	simm.s32 $0x108;
	_ =	swait.ge @!p0 [sflag:s8], $0x0  }
0x24: {  	s3 =	sadd.s32 $0x88, s3;
	s6 =	simm.s32 @!p1 $0x1082;
	[sflag:s4] =	ssyncset.s32 $0xFFFFF086  }
0x25: {  	[simem:s6], [sflag:s4] =	dma.local [hbm:s3], $0xF7A  }
0x26: {  	[smem:$0x3FA0] =	sst s1;
	(tag) =	ssettag s2;
	_ =	strace s9  }
0x27: {  	s1 =	sld [smem:$0x3FB0]  }
0x28: {  	s2 =	sld [smem:$0x3FB1]  }
0x29: {  	s4 =	sld [smem:$0x3FB3]  }
0x2a: {  	p0 =	seq.s32 s5, $0x0;
	s5 =	sld [smem:$0x3FB4]  }
0x2b: {  	s6 =	sld [smem:$0x3FB5]  }
0x2c: {  	s7 =	sld [smem:$0x3FB6]  }
0x2d: {  	s3 =	simm.s32 $0x108;
	s8 =	sld [smem:$0x3FB7]  }
0x2e: {  	s3 =	simm.s32 @!p0 $0x1082;
	s9 =	sld [smem:$0x3FB8]  }
0x2f: {  	lr =	sadd.s32 s0, s3;
	s0 =	sld [smem:$0x3FAF]  }
0x30: {  	s3 =	sld [smem:$0x3FB2]  }
0x31: {  	[smem:$0x3FBB] =	sst s10  }
0x32: {  	s10 =	sld [smem:$0x3FB9];
	_ =	sdelay $0x3  }
0x33: {  	p0 =	seq.s32 s10, $0x1;
	s10 =	sld [smem:$0x3FBB];
	_ =	sdelay $0x3  }
0x34: {  	[smem:$0x3FBB] =	sst s10  }
0x35: {  	s10 =	sld [smem:$0x3FBA];
	_ =	sdelay $0x3  }
0x36: {  	p1 =	seq.s32 s10, $0x1;
	s10 =	sld [smem:$0x3FBB];
	_ =	sdelay $0x3  }
0x37: {  	[smem:$0x3FBB] =	sst s10  }
0x38: {  	s10 =	sld [smem:$0x3FBC]  }
0x39: {  	_ = 	snop;
	(pc) =	sbr.ind lr, $3  }
0x3a: {  	_ = 	snop  }
0x3b: {  	_ = 	snop  }
0x3c: {  	p2 =	seq.s32 s10, $0x1;
	s10 =	sld [smem:$0x3FBB]  }
0x3d: {  	_ =	shalt  }
0x3e: {  	_ =	shalt  }
0x3f: {  	_ =	shalt  }
0x40: {  	_ =	shalt  }
0x41: {  	_ =	shalt  }
0x42: {  	_ =	shalt  }
0x43: {  	_ =	shalt  }
0x44: {  	_ =	shalt  }
0x45: {  	_ =	shalt  }
0x46: {  	_ =	shalt  }
0x47: {  	_ =	shalt  }
0x48: {  	_ =	shalt  }
0x49: {  	_ =	shalt  }
0x4a: {  	_ =	shalt  }
0x4b: {  	_ =	shalt  }
0x4c: {  	_ =	shalt  }
0x4d: {  	_ =	shalt  }
0x4e: {  	_ =	shalt  }
0x4f: {  	_ =	shalt  }
0x50: {  	_ =	shalt  }
0x51: {  	_ =	shalt  }
0x52: {  	_ =	shalt  }
0x53: {  	_ =	shalt  }
0x54: {  	_ =	shalt  }
0x55: {  	_ =	shalt  }
0x56: {  	_ =	shalt  }
0x57: {  	_ =	shalt  }
0x58: {  	_ =	shalt  }
0x59: {  	_ =	shalt  }
0x5a: {  	_ =	shalt  }
0x5b: {  	_ =	shalt  }
0x5c: {  	_ =	shalt  }
0x5d: {  	_ =	shalt  }
0x5e: {  	_ =	shalt  }
0x5f: {  	_ =	shalt  }
0x60: {  	_ =	shalt  }
0x61: {  	_ =	shalt  }
0x62: {  	_ =	shalt  }
0x63: {  	_ =	shalt  }
0x64: {  	_ =	shalt  }
0x65: {  	_ =	shalt  }
0x66: {  	_ =	shalt  }
0x67: {  	_ =	shalt  }
0x68: {  	_ =	shalt  }
0x69: {  	_ =	shalt  }
0x6a: {  	_ =	shalt  }
0x6b: {  	_ =	shalt  }
0x6c: {  	_ =	shalt  }
0x6d: {  	_ =	shalt  }
0x6e: {  	_ =	shalt  }
0x6f: {  	_ =	shalt  }
0x70: {  	_ =	shalt  }
0x71: {  	_ =	shalt  }
0x72: {  	_ =	shalt  }
0x73: {  	_ =	shalt  }
0x74: {  	_ =	shalt  }
0x75: {  	_ =	shalt  }
0x76: {  	_ =	shalt  }
0x77: {  	_ =	shalt  }
0x78: {  	_ =	shalt  }
0x79: {  	_ =	shalt  }
0x7a: {  	_ =	shalt  }
0x7b: {  	_ =	shalt  }
0x7c: {  	_ =	shalt  }
0x7d: {  	_ =	shalt  }
0x7e: {  	_ =	shalt  }
0x7f: {  	_ =	shalt  }
0x80: {  	_ =	shalt  }
0x81: {  	_ =	shalt  }
0x82: {  	_ =	shalt  }
0x83: {  	_ =	shalt  }
0x84: {  	_ =	shalt  }
0x85: {  	_ =	shalt  }
0x86: {  	_ =	shalt  }
0x87: {  	_ =	shalt  }
.Lfunc_end0:
.L_simem_size_0:
called_computation_lowered:
.L_overlay_start_0:
0x88: {  	s2 =	sld [smem:$0x3FD9]  }
0x89: {  	s3 =	sld [smem:$0x3FFE];
	_ =	sdelay $0x1  }
0x8a: {  	s1 =	srdreg.scid  }
0x8b: {  	s0 =	sand.u32 $0x1, s1  }
0x8c: {  	s17 =	sshll.u32 s0, $0xA;
	s2 =	sadd.s32 s3, s2  }
0x8d: {  	s2 =	sadd.s32 s2, s17  }
0x8e: {  	[smem:$0x3FC7] =	sst s2  }
0x8f: {  	_ = 	snop  }
0x90: {  	s2 =	sld [smem:$0x3FC9]  }
0x91: {  	s18 =	sld [smem:$0x3FD0];
	(tm) =	ssettm $0x1  }
0x92: {  	s4 =	sld [smem:$0x3FFB];
	_ =	sdelay $0x3  }
0x93: {  	_ =	strace s4  }
0x94: {  	s4 =	sld [smem:$0x3FFC];
	_ =	sdelay $0x3  }
0x95: {  	_ =	strace s4  }
0x96: {  	s4 =	sld [smem:$0x3FFD];
	_ =	sdelay $0x3  }
0x97: {  	_ =	strace s4  }
0x98: {  	_ =	strace $0x8FFFFFFF  }
0x99: {  	s19 =	sld [smem:$0x3FDB];
	_ =	sdelay $0x1  }
0x9a: {  	s5 =	simm.s32 $_scs_section_size  }
0x9b: {  	s6 =	simm.s32 $_size__tile_overlayer_lowered;
	s7 =	simm.s32 $_tile_overlayer_lowered  }
0x9c: {  	s22 =	simm.s32 $0x1BFF;
	s21 =	sshll.u32 s7, $0x1;
	s4 =	sadd.s32 s5, s19  }
0x9d: {  	s8 =	simm.s32 $0x0;
	s20 =	sshll.u32 s6, $0x1;
	s6 =	sadd.s32 s21, s4  }
0x9e: {  	[timem:s8], [sflag:s22] =	dma.local [hbm:s6], s20  }
0x9f: {  	_ =	swait.ge [sflag:s22], s20  }
0xa0: {  	s5 =	ssub.s32 $0x0, s20;
	[sflag:s22] =	ssyncset.done $0x0  }
0xa1: {  	[sflag:s22] =	ssyncadd.s32 s5;
	_ =	sdelay $0x1  }
0xa2: {  	s23 =	simm.s32 $0x1B8B  }
0xa3: {  	_ =	swait.ge [sflag:s23], $0x1  }
0xa4: {  	[sflag:s23] =	ssyncset.done $0x0  }
0xa5: {  	s25 =	simm.s32 $0x1B8E;
	s24 =	sld [smem:$0x3FFE];
	[sflag:s23] =	ssyncadd.s32 $0xFFFFFFFF  }
0xa6: {  	s26 =	simm.s32 $execute0_lowered;
	[smem:$0x3FD2] =	sst s25  }
0xa7: {  	s6 =	sshll.u32 s26, $0x1;
	_ =	strace $0x80000046;
	[dreg:$0x1] =	wrdreg $0xFFFFFFFF  }
0xa8: {  	s28 =	simm.s32 $_size_execute0_lowered;
	s4 =	sadd.s32 s4, s6;
	[dreg:$0x0] =	wrdreg $0x0  }
0xa9: {  	s6 =	sshll.u32 s28, $0x1;
	[dreg:$0x2] =	wrdreg s4  }
0xaa: {  	[dreg:$0x3] =	wrdreg s6  }
0xab: {  	[dreg:$0x4] =	wrdreg $0xC0  }
0xac: {  	_ =	task [dreg:s8], $0x5FFFF  }
0xad: {  	[dreg:$0x1] =	wrdreg $0xFFFFFFFF  }
0xae: {  	[dreg:$0x0] =	wrdreg $0x60  }
0xaf: {  	[dreg:$0x2] =	wrdreg s2  }
0xb0: {  	[dreg:$0x3] =	wrdreg s24  }
0xb1: {  	[dreg:$0x4] =	wrdreg s18  }
0xb2: {  	[dreg:$0x5] =	wrdreg $0x68000  }
0xb3: {  	[dreg:$0x6] =	wrdreg $0x9  }
0xb4: {  	_ =	task.clear_ibuf [dreg:s8], $0x7FFFF;
	_ =	strace $0x90000046  }
0xb5: {  	s29 =	simm.s32 $0x9;
	_ =	strace $0x80000048  }
0xb6: {  	_ =	swait.ge [sflag:s29], $0x1  }
0xb7: {  	[sflag:s29] =	ssyncadd.s32 $0xFFFFFFFF  }
0xb8: {  	_ =	strace $0x90000048  }
0xb9: {  	_ =	sfence  }
0xba: {  	s30 =	sld [smem:$0x0];
	_ =	sdelay $0x2  }
0xbb: {  	s31 =	sshll.u32 s1, $0xD;
	s1 =	sshrl.u32 s1, $0x2  }
0xbc: {  	s3 =	sand.u32 $0x4000, s31;
	s1 =	sadd.s32 s1, s30  }
0xbd: {  	s0 =	sor.u32 s3, s0;
	s1 =	sshll.u32 s1, $0x11  }
0xbe: {  	s0 =	sor.u32 s1, s0  }
0xbf: {  	s0 =	sadd.s32 $0x8F2B, s0  }
0xc0: {  	[sflag:s0] =	ssyncadd.remote.s32 $0x1  }
0xc1: {  	_ =	sfence.sel $0xFFFF  }
0xc2: {  	[dreg:$0x0] =	wrdreg $0xFFFFFFFF;
	(pc) =	sbr.abs _section_cstart, $3  }
0xc3: {  	[dreg:$0x1] =	wrdreg $0xFFFFFFFF  }
0xc4: {  	_ =	task.clear_ibuf [dreg:s8], $0x2FFFF;
	_ =	strace $0x9FFFFFFF  }
0xc5: {  	(tm) =	ssettm $0x7FFFFFFF  }
tec
execute0_lowered:
.L_overlay_start_1:
0x0: {  	(tag) =	ssettag $0x1  }
0x1: {  	s6 =	rddreg [dreg:$0x0]  }
0x2: {  	s5 =	rddreg [dreg:$0x1]  }
0x3: {  	s7 =	rddreg [dreg:$0x2]  }
0x4: {  	s1 =	rddreg [dreg:$0x3]  }
0x5: {  	s0 =	rddreg [dreg:$0x4];
	s3 =	simm.s32 $0x0  }
0x6: {  	s4 =	srdreg.scid;
	s2 =	stileid.u32;
	s14 =	simm.s32 $0x0  }
0x7: {  	[smem:$0x7FF] =	sst s3;
	s8 =	sand.u32 $0x1, s4;
	s9 =	smul.u32 $0x4F000, s2  }
0x8: {  	s4 =	sadd.s32 $0xC00, s5;
	s12 =	smul.u32 $0x13C00, s2;
	s5 =	sadd.s32 $0x400, s5  }
0x9: {  	s31 =	sshll.u32 s2, $0x6;
	_ =	strace $0x80000047;
	s10 =	sshll.u32 s8, $0x4  }
0xa: {  	s11 =	smul.u32 $0x13C000, s8;
	s8 =	ssub.s32 $0x2, s8;
	s10 =	sor.u32 s2, s10  }
0xb: {  	s13 =	sshrl.u32 s8, $0x1;
	s9 =	sshrl.u32 s9, $0x2;
	s10 =	smul.u32 $0x500, s10  }
0xc: {  	s8 =	ssub.s32 s8, s13;
	s11 =	sadd.s32 s12, s11;
	s29 =	sadd.s32 s9, s1  }
0xd: {  	s9 =	simm.s32 $0x1;
	s13 =	simm.s32 $0x80;
	s30 =	sshrl.u32 s11, $0x3  }
0xe: {  	s8 =	smax.u32 s8, $0x1;
	s11 =	sor.u32 $0x1C01, s31;
	s12 =	sshrl.u32 s29, $0x3  }
0xf: {  	s6 =	sadd.s32 s6, s10;
	s7 =	sadd.s32 s7, s30;
	s10 =	simm.s32 $0x2800  }
.LBB2_1:
0x10: {  	[tilespmem:s3], [sflag:$0x1] =	stream.linear.gather [hbm4b:s6+s3], $0x2800, $0x38;
	[tilespmem:$0x1A400] =	vst v63  }
0x11: {  	_ =	swait.ge [sflag:s9], $0x2800  }
0x12: {  	[sflag:s9] =	ssyncset.done $0x0  }
0x13: {  	[sflag:s9] =	ssyncadd.s32 $0xFFFFD800  }
0x14: {  	[tilespmem:s10], [sflag:$0x1] =	stream.linear.gather [hbm4b:s5+s3], $0x4000, $0x38;
	[tilespmem:$0x1A400] =	vst v63  }
0x15: {  	_ =	swait.ge [sflag:s9], $0x4000  }
0x16: {  	[sflag:s9] =	ssyncset.done $0x0  }
0x17: {  	[sflag:s9] =	ssyncadd.s32 $0xFFFFC000  }
0x18: {  	[spmem:s12], [sflag:s11] =	dma.local [hbm:s4], $0x2780  }
0x19: {  	_ =	swait.ge [sflag:s9], $0x2780  }
0x1a: {  	[sflag:s9] =	ssyncset.done $0x0  }
0x1b: {  	[sflag:s9] =	ssyncadd.s32 $0xFFFFD880  }
0x1c: {  	s15 =	simm.s32 $0x0;
	[bflag:$0x0] =	sbarrier.arrive $0xFFFF  }
0x1d: {  	[spmem:s1] =	stream.indirect.scatter.add.f32 [tilespmem:s10], [sflag:$0x1], $0x80, s15, s13, $0xb8;
	[tilespmem:$0x1A400] =	vst v63  }
0x1e: {  	_ =	swait.ge [sflag:s9], $0x4000  }
0x1f: {  	s15 =	simm.s32 $0x200;
	[sflag:s9] =	ssyncset.done $0x0  }
.LBB2_2:
0x20: {  	s16 =	sshra.s32 s15, $0x2;
	[sflag:s9] =	ssyncadd.s32 $0xFFFFC000;
	p0 =	sne.s32 s15, $0x9E00  }
0x21: {  	[spmem:s1] =	stream.indirect.scatter.add.f32 [tilespmem:s10], [sflag:$0x1], $0x80, s16, s13, $0xb8;
	[tilespmem:$0x1A400] =	vst v63  }
.Ltmp0:
0x22: {  	_ = 	snop;
	(pc) =	sbr.rel @p0 .LBB2_2-.Ltmp0, $4  }
0x23: {  	_ = 	snop  }
0x24: {  	s15 =	sadd.s32 $0x200, s15  }
0x25: {  	_ =	swait.ge [sflag:s9], $0x4000  }
0x26: {  	[sflag:s9] =	ssyncset.done $0x0  }
0x27: {  	s14 =	sadd.s32 $0x1, s14  }
0x28: {  	[sflag:s9] =	ssyncadd.s32 $0xFFFFC000;
	p0 =	sne.s32 s14, s8  }
.Ltmp1:
0x29: {  	[bflag:$0x0] =	sbarrier.arrive $0xFFFF;
	(pc) =	sbr.rel @p0 .LBB2_1-.Ltmp1, $4  }
0x2a: {  	[hbm:s7], [sflag:s11] =	dma.local [spmem:s12], $0x2780  }
0x2b: {  	_ =	swait.ge [sflag:s9], $0x2780  }
0x2c: {  	[sflag:s9] =	ssyncset.done $0x0  }
0x2d: {  	[sflag:s9] =	ssyncadd.s32 $0xFFFFD880  }
0x2e: {  	_ =	sfence.sel $0x180000  }
0x2f: {  	[bflag:$0x0] =	sbarrier.arrive $0xFFFF  }
0x30: {  	p0 =	sne.s32 s2, $0x0;
	_ =	strace $0x90000047  }
0x31: {  	s0 =	sadd.s32 @!p0 $0x100000, s0;
	[bflag:$0x2] =	sbarrier.arrive $0xFFFF  }
0x32: {  	[sflag:s0] =	ssyncadd.tile.s32 @!p0 $0x1;
	_ =	shalt  }
.Lfunc_end2:
_tile_overlayer_lowered:
.L_overlay_start_2:
0x33: {  	(tag) =	ssettag $0x2  }
0x34: {  	s0 =	rddreg [dreg:$0x0];
	s2 =	stileid.u32  }
0x35: {  	s1 =	rddreg [dreg:$0x1];
	p0 =	sne.s32 s2, $0x0  }
0x36: {  	s3 =	rddreg [dreg:$0x2];
	[bflag:$0x3] =	sbarrier.arrive $0xFFFF;
	s2 =	simm.s32 @!p0 $0x1C01  }
0x37: {  	[timem:s3], [sflag:s2] =	dma.local @!p0 [hbm:s0], s1  }
0x38: {  	s0 =	simm.s32 @!p0 $0x1  }
0x39: {  	_ =	swait.ge @!p0 [sflag:s0], s1  }
0x3a: {  	s1 =	ssub.s32 @!p0 $0x0, s1;
	[sflag:s0] =	ssyncset.done @!p0 $0x0  }
0x3b: {  	[sflag:s0] =	ssyncadd.s32 @!p0 s1  }
0x3c: {  	[bflag:$0x3] =	sbarrier.arrive $0xFFFF  }
0x3d: {  	_ =	shalt  }

</sc_bundles>
